<compile_context>
chip_gen: v7x
topology: tpu7x:2x2x1
jax: 0.10.2.dev20260603
libtpu: 0.0.44.dev20260713+nightly
codegen_flags: <defaults>
</compile_context>

<pallas_src>
import functools

import jax
import jax.numpy as jnp
import numpy as np
from jax import lax
from jax.experimental import pallas as pl
from jax.experimental.pallas import tpu as pltpu
from jax.experimental.pallas import tpu_sc as plsc

_MAX_SEQ_LEN = 2048


def _make_gather(V, D, B):
    info = plsc.get_sparse_core_info()
    NC, NS, L = info.num_cores, info.num_subcores, info.num_lanes
    NW = NC * NS
    b_per_w = B // NW
    half = b_per_w // 2
    assert B % (8 * NW) == 0 and b_per_w % (2 * L) == 0
    delta = np.float32(V - 1) / np.float32(B - 1)
    mesh = plsc.VectorSubcoreMesh(core_axis_name="c", subcore_axis_name="s")

    @functools.partial(
        pl.kernel,
        mesh=mesh,
        out_type=jax.ShapeDtypeStruct((B, D), jnp.float32),
        scratch_types=[
            pltpu.VMEM((b_per_w,), jnp.int32),
            pltpu.VMEM((b_per_w, D), jnp.float32),
            pltpu.SemaphoreType.DMA,
            pltpu.SemaphoreType.DMA,
            pltpu.SemaphoreType.DMA,
        ],
    )
    def gather_kernel(table_hbm, out_hbm, idx_v, rows_v, sem_a, sem_b, sem_w):
        wid = lax.axis_index("s") * NC + lax.axis_index("c")
        base = wid * b_per_w
        for j in range(b_per_w // L):
            i_vec = base + j * L + lax.iota(jnp.int32, L)
            r_vec = (i_vec.astype(jnp.float32) * delta).astype(jnp.int32)
            idx_v[pl.ds(j * L, L)] = r_vec
        g0 = pltpu.async_copy(
            table_hbm.at[idx_v.at[pl.ds(0, half)]], rows_v.at[pl.ds(0, half)], sem_a
        )
        g1 = pltpu.async_copy(
            table_hbm.at[idx_v.at[pl.ds(half, half)]],
            rows_v.at[pl.ds(half, half)],
            sem_b,
        )
        g0.wait()
        w0 = pltpu.async_copy(
            rows_v.at[pl.ds(0, half)], out_hbm.at[pl.ds(base, half)], sem_w
        )
        g1.wait()
        w1 = pltpu.async_copy(
            rows_v.at[pl.ds(half, half)], out_hbm.at[pl.ds(base + half, half)], sem_w
        )
        w0.wait()
        w1.wait()

    return gather_kernel


def kernel(feature):
    T, D = feature.shape
    return _make_gather(T, D, _MAX_SEQ_LEN)(feature)

# --- scband reference (transcript-rebuilt; emitter-appended) ---
"""Pipeline reference for scband-uniform-subsample-or-pad-33827162423332 (READ-ONLY COPY).

The authoritative reference and input builder live on the scoring server;
editing this copy changes nothing except your own understanding.
"""

import jax, jax.numpy as jnp
import numpy as np

MAX_SEQ_LEN = 2048

def setup_inputs(seed: int = 0) -> dict:
    key = jax.random.key(seed)
    feature = jax.random.normal(key, (16384, 512), dtype=jnp.float32)
    return {"feature": feature}

def reference(feature):
    T = feature.shape[0]
    # T > MAX_SEQ_LEN branch: uniform subsample (overlap=False)
    # torch.linspace(0, T-1, max_seq_len, dtype=int32) computes float linspace then truncates
    r = jnp.linspace(0.0, float(T - 1), MAX_SEQ_LEN).astype(jnp.int32)
    out = jnp.take(feature, r, axis=0)
    return out

if __name__ == "__main__":
    import jax
    _d = setup_inputs()
    print(jax.jit(kernel)(*tuple(_d.values())))

</pallas_src>

<mosaic_0001>
#map = affine_map<(d0, d1) -> (0, 0)>
module attributes {stable_mosaic.version = 14 : i64} {
  func.func @gather_kernel(%arg0: i32, %arg1: i32, %arg2: memref<16384x512xf32, #tpu.memory_space<hbm>>, %arg3: memref<2048x512xf32, #tpu.memory_space<hbm>>, %arg4: memref<64xi32, #tpu.memory_space<vmem>>, %arg5: memref<64x512xf32, #tpu.memory_space<vmem>>, %arg6: memref<!tpu.dma_semaphore, #tpu.memory_space<semaphore_mem>>, %arg7: memref<!tpu.dma_semaphore, #tpu.memory_space<semaphore_mem>>, %arg8: memref<!tpu.dma_semaphore, #tpu.memory_space<semaphore_mem>>) attributes {dimension_semantics = [#tpu.dimension_semantics<core_parallel>, #tpu.dimension_semantics<subcore_parallel>], iteration_bounds = array<i64: 2, 16>, scalar_prefetch = 0 : i64, scratch_operands = 5 : i64, tpu.core_type = #tpu.core_type<sc_vector_subcore>, window_params = [{transform_indices = #map}, {transform_indices = #map}]} {
    %mul3A = arith.constant 2 : i32
    %mul3A_0 = arith.muli %arg1, %mul3A : i32
    %add3A = arith.addi %mul3A_0, %arg0 : i32
    %mul3A_1 = arith.constant 64 : i32
    %mul3A_2 = arith.muli %add3A, %mul3A_1 : i32
    %add3A_3 = arith.constant 0 : i32
    %add3A_4 = arith.addi %mul3A_2, %add3A_3 : i32
    %iota3A = tpu.iota {dimensions = array<i32: 0>} : vector<16xi32>
    %add3A_5 = vector.broadcast %add3A_4 : i32 to vector<16xi32>
    %add3A_6 = arith.addi %add3A_5, %iota3A : vector<16xi32>
    %convert_element_type3A = arith.sitofp %add3A_6 : vector<16xi32> to vector<16xf32>
    %mul3A_7 = arith.constant 8.00341987 : f32
    %mul3A_8 = vector.broadcast %mul3A_7 : f32 to vector<16xf32>
    %mul3A_9 = arith.mulf %convert_element_type3A, %mul3A_8 : vector<16xf32>
    %convert_element_type3A_10 = arith.fptosi %mul3A_9 : vector<16xf32> to vector<16xi32>
    %swap3A = arith.constant 0 : index
    %swap3A_11 = tpu.vector_load %arg4[%swap3A] {strides = array<i32>} : memref<64xi32, #tpu.memory_space<vmem>>, vector<16xi32>,
    %swap3A_12 = vector.shape_cast %swap3A_11 : vector<16xi32> to vector<16xi32>
    %swap3A_13 = vector.shape_cast %convert_element_type3A_10 : vector<16xi32> to vector<16xi32>
    tpu.vector_store %arg4[%swap3A], %swap3A_13 {strides = array<i32>} : memref<64xi32, #tpu.memory_space<vmem>>, vector<16xi32>,
    %add3A_14 = arith.constant 16 : i32
    %add3A_15 = arith.addi %mul3A_2, %add3A_14 : i32
    %iota3A_16 = tpu.iota {dimensions = array<i32: 0>} : vector<16xi32>
    %add3A_17 = vector.broadcast %add3A_15 : i32 to vector<16xi32>
    %add3A_18 = arith.addi %add3A_17, %iota3A_16 : vector<16xi32>
    %convert_element_type3A_19 = arith.sitofp %add3A_18 : vector<16xi32> to vector<16xf32>
    %mul3A_20 = arith.constant 8.00341987 : f32
    %mul3A_21 = vector.broadcast %mul3A_20 : f32 to vector<16xf32>
    %mul3A_22 = arith.mulf %convert_element_type3A_19, %mul3A_21 : vector<16xf32>
    %convert_element_type3A_23 = arith.fptosi %mul3A_22 : vector<16xf32> to vector<16xi32>
    %swap3A_24 = arith.constant 16 : index
    %swap3A_25 = tpu.vector_load %arg4[%swap3A_24] {strides = array<i32>} : memref<64xi32, #tpu.memory_space<vmem>>, vector<16xi32>,
    %swap3A_26 = vector.shape_cast %swap3A_25 : vector<16xi32> to vector<16xi32>
    %swap3A_27 = vector.shape_cast %convert_element_type3A_23 : vector<16xi32> to vector<16xi32>
    tpu.vector_store %arg4[%swap3A_24], %swap3A_27 {strides = array<i32>} : memref<64xi32, #tpu.memory_space<vmem>>, vector<16xi32>,
    %add3A_28 = arith.constant 32 : i32
    %add3A_29 = arith.addi %mul3A_2, %add3A_28 : i32
    %iota3A_30 = tpu.iota {dimensions = array<i32: 0>} : vector<16xi32>
    %add3A_31 = vector.broadcast %add3A_29 : i32 to vector<16xi32>
    %add3A_32 = arith.addi %add3A_31, %iota3A_30 : vector<16xi32>
    %convert_element_type3A_33 = arith.sitofp %add3A_32 : vector<16xi32> to vector<16xf32>
    %mul3A_34 = arith.constant 8.00341987 : f32
    %mul3A_35 = vector.broadcast %mul3A_34 : f32 to vector<16xf32>
    %mul3A_36 = arith.mulf %convert_element_type3A_33, %mul3A_35 : vector<16xf32>
    %convert_element_type3A_37 = arith.fptosi %mul3A_36 : vector<16xf32> to vector<16xi32>
    %swap3A_38 = arith.constant 32 : index
    %swap3A_39 = tpu.vector_load %arg4[%swap3A_38] {strides = array<i32>} : memref<64xi32, #tpu.memory_space<vmem>>, vector<16xi32>,
    %swap3A_40 = vector.shape_cast %swap3A_39 : vector<16xi32> to vector<16xi32>
    %swap3A_41 = vector.shape_cast %convert_element_type3A_37 : vector<16xi32> to vector<16xi32>
    tpu.vector_store %arg4[%swap3A_38], %swap3A_41 {strides = array<i32>} : memref<64xi32, #tpu.memory_space<vmem>>, vector<16xi32>,
    %add3A_42 = arith.constant 48 : i32
    %add3A_43 = arith.addi %mul3A_2, %add3A_42 : i32
    %iota3A_44 = tpu.iota {dimensions = array<i32: 0>} : vector<16xi32>
    %add3A_45 = vector.broadcast %add3A_43 : i32 to vector<16xi32>
    %add3A_46 = arith.addi %add3A_45, %iota3A_44 : vector<16xi32>
    %convert_element_type3A_47 = arith.sitofp %add3A_46 : vector<16xi32> to vector<16xf32>
    %mul3A_48 = arith.constant 8.00341987 : f32
    %mul3A_49 = vector.broadcast %mul3A_48 : f32 to vector<16xf32>
    %mul3A_50 = arith.mulf %convert_element_type3A_47, %mul3A_49 : vector<16xf32>
    %convert_element_type3A_51 = arith.fptosi %mul3A_50 : vector<16xf32> to vector<16xi32>
    %swap3A_52 = arith.constant 48 : index
    %swap3A_53 = tpu.vector_load %arg4[%swap3A_52] {strides = array<i32>} : memref<64xi32, #tpu.memory_space<vmem>>, vector<16xi32>,
    %swap3A_54 = vector.shape_cast %swap3A_53 : vector<16xi32> to vector<16xi32>
    %swap3A_55 = vector.shape_cast %convert_element_type3A_51 : vector<16xi32> to vector<16xi32>
    tpu.vector_store %arg4[%swap3A_52], %swap3A_55 {strides = array<i32>} : memref<64xi32, #tpu.memory_space<vmem>>, vector<16xi32>,
    %dma_start3A = arith.constant 0 : i32
    %dma_start3A_56 = arith.constant 0 : i32
    %dma_start3A_57 = tpu.memref_slice %arg5[%dma_start3A, %dma_start3A_56] : memref<64x512xf32, #tpu.memory_space<vmem>> -> memref<32x512xf32, #tpu.memory_space<vmem>>
    %dma_start3A_58 = arith.constant 0 : i32
    %dma_start3A_59 = tpu.memref_slice %arg4[%dma_start3A_58] : memref<64xi32, #tpu.memory_space<vmem>> -> memref<32xi32, #tpu.memory_space<vmem>>
    %dma_start3A_60 = arith.constant 0 : i32
    %dma_start3A_61 = arith.constant 0 : i32
    %dma_start3A_62 = tpu.memref_slice %arg2[%dma_start3A_60, %dma_start3A_61] : memref<16384x512xf32, #tpu.memory_space<hbm>> -> memref<16384x512xf32, #tpu.memory_space<hbm>>
    tpu.enqueue_indirect_dma source(%dma_start3A_62 : memref<16384x512xf32, #tpu.memory_space<hbm>>) target(%dma_start3A_57 : memref<32x512xf32, #tpu.memory_space<vmem>>) offsets(%dma_start3A_59 : memref<32xi32, #tpu.memory_space<vmem>>) semaphore(%arg6 : memref<!tpu.dma_semaphore, #tpu.memory_space<semaphore_mem>>)
    %dma_start3A_63 = arith.constant 32 : i32
    %dma_start3A_64 = arith.constant 0 : i32
    %dma_start3A_65 = tpu.memref_slice %arg5[%dma_start3A_63, %dma_start3A_64] : memref<64x512xf32, #tpu.memory_space<vmem>> -> memref<32x512xf32, #tpu.memory_space<vmem>>
    %dma_start3A_66 = arith.constant 32 : i32
    %dma_start3A_67 = tpu.memref_slice %arg4[%dma_start3A_66] : memref<64xi32, #tpu.memory_space<vmem>> -> memref<32xi32, #tpu.memory_space<vmem>>
    %dma_start3A_68 = arith.constant 0 : i32
    %dma_start3A_69 = arith.constant 0 : i32
    %dma_start3A_70 = tpu.memref_slice %arg2[%dma_start3A_68, %dma_start3A_69] : memref<16384x512xf32, #tpu.memory_space<hbm>> -> memref<16384x512xf32, #tpu.memory_space<hbm>>
    tpu.enqueue_indirect_dma source(%dma_start3A_70 : memref<16384x512xf32, #tpu.memory_space<hbm>>) target(%dma_start3A_65 : memref<32x512xf32, #tpu.memory_space<vmem>>) offsets(%dma_start3A_67 : memref<32xi32, #tpu.memory_space<vmem>>) semaphore(%arg7 : memref<!tpu.dma_semaphore, #tpu.memory_space<semaphore_mem>>)
    %dma_wait3A = arith.constant 0 : i32
    %dma_wait3A_71 = arith.constant 0 : i32
    %dma_wait3A_72 = tpu.memref_slice %arg5[%dma_wait3A, %dma_wait3A_71] : memref<64x512xf32, #tpu.memory_space<vmem>> -> memref<32x512xf32, #tpu.memory_space<vmem>>
    %dma_wait3A_73 = arith.constant 0 : i32
    %dma_wait3A_74 = tpu.memref_slice %arg4[%dma_wait3A_73] : memref<64xi32, #tpu.memory_space<vmem>> -> memref<32xi32, #tpu.memory_space<vmem>>
    %dma_wait3A_75 = arith.constant 0 : i32
    %dma_wait3A_76 = arith.constant 0 : i32
    %dma_wait3A_77 = tpu.memref_slice %arg2[%dma_wait3A_75, %dma_wait3A_76] : memref<16384x512xf32, #tpu.memory_space<hbm>> -> memref<16384x512xf32, #tpu.memory_space<hbm>>
    tpu.wait_indirect_dma semaphore(%arg6 : memref<!tpu.dma_semaphore, #tpu.memory_space<semaphore_mem>>) src(%dma_wait3A_77 : memref<16384x512xf32, #tpu.memory_space<hbm>>) dst(%dma_wait3A_72 : memref<32x512xf32, #tpu.memory_space<vmem>>)
    %dma_start3A_78 = arith.constant 0 : i32
    %dma_start3A_79 = arith.constant 0 : i32
    %dma_start3A_80 = tpu.memref_slice %arg5[%dma_start3A_78, %dma_start3A_79] : memref<64x512xf32, #tpu.memory_space<vmem>> -> memref<32x512xf32, #tpu.memory_space<vmem>>
    %dma_start3A_81 = arith.constant 0 : i32
    %dma_start3A_82 = tpu.memref_slice %arg3[%mul3A_2, %dma_start3A_81] : memref<2048x512xf32, #tpu.memory_space<hbm>> -> memref<32x512xf32, #tpu.memory_space<hbm>>
    %dma_start3A_83 = arith.constant 0 : i32
    %dma_start3A_84 = tpu.memref_slice %arg3[%mul3A_2, %dma_start3A_83] : memref<2048x512xf32, #tpu.memory_space<hbm>> -> memref<32x512xf32, #tpu.memory_space<hbm>>
    %dma_start3A_85 = arith.constant 0 : i32
    %dma_start3A_86 = arith.constant 0 : i32
    %dma_start3A_87 = tpu.memref_slice %arg5[%dma_start3A_85, %dma_start3A_86] : memref<64x512xf32, #tpu.memory_space<vmem>> -> memref<32x512xf32, #tpu.memory_space<vmem>>
    tpu.enqueue_dma source(%dma_start3A_87 : memref<32x512xf32, #tpu.memory_space<vmem>>) target(%dma_start3A_84 : memref<32x512xf32, #tpu.memory_space<hbm>>) target_semaphore(%arg8 : memref<!tpu.dma_semaphore, #tpu.memory_space<semaphore_mem>>)
    %dma_wait3A_88 = arith.constant 32 : i32
    %dma_wait3A_89 = arith.constant 0 : i32
    %dma_wait3A_90 = tpu.memref_slice %arg5[%dma_wait3A_88, %dma_wait3A_89] : memref<64x512xf32, #tpu.memory_space<vmem>> -> memref<32x512xf32, #tpu.memory_space<vmem>>
    %dma_wait3A_91 = arith.constant 32 : i32
    %dma_wait3A_92 = tpu.memref_slice %arg4[%dma_wait3A_91] : memref<64xi32, #tpu.memory_space<vmem>> -> memref<32xi32, #tpu.memory_space<vmem>>
    %dma_wait3A_93 = arith.constant 0 : i32
    %dma_wait3A_94 = arith.constant 0 : i32
    %dma_wait3A_95 = tpu.memref_slice %arg2[%dma_wait3A_93, %dma_wait3A_94] : memref<16384x512xf32, #tpu.memory_space<hbm>> -> memref<16384x512xf32, #tpu.memory_space<hbm>>
    tpu.wait_indirect_dma semaphore(%arg7 : memref<!tpu.dma_semaphore, #tpu.memory_space<semaphore_mem>>) src(%dma_wait3A_95 : memref<16384x512xf32, #tpu.memory_space<hbm>>) dst(%dma_wait3A_90 : memref<32x512xf32, #tpu.memory_space<vmem>>)
    %add3A_96 = arith.constant 32 : i32
    %add3A_97 = arith.addi %mul3A_2, %add3A_96 : i32
    %dma_start3A_98 = arith.constant 32 : i32
    %dma_start3A_99 = arith.constant 0 : i32
    %dma_start3A_100 = tpu.memref_slice %arg5[%dma_start3A_98, %dma_start3A_99] : memref<64x512xf32, #tpu.memory_space<vmem>> -> memref<32x512xf32, #tpu.memory_space<vmem>>
    %dma_start3A_101 = arith.constant 0 : i32
    %dma_start3A_102 = tpu.memref_slice %arg3[%add3A_97, %dma_start3A_101] : memref<2048x512xf32, #tpu.memory_space<hbm>> -> memref<32x512xf32, #tpu.memory_space<hbm>>
    %dma_start3A_103 = arith.constant 0 : i32
    %dma_start3A_104 = tpu.memref_slice %arg3[%add3A_97, %dma_start3A_103] : memref<2048x512xf32, #tpu.memory_space<hbm>> -> memref<32x512xf32, #tpu.memory_space<hbm>>
    %dma_start3A_105 = arith.constant 32 : i32
    %dma_start3A_106 = arith.constant 0 : i32
    %dma_start3A_107 = tpu.memref_slice %arg5[%dma_start3A_105, %dma_start3A_106] : memref<64x512xf32, #tpu.memory_space<vmem>> -> memref<32x512xf32, #tpu.memory_space<vmem>>
    tpu.enqueue_dma source(%dma_start3A_107 : memref<32x512xf32, #tpu.memory_space<vmem>>) target(%dma_start3A_104 : memref<32x512xf32, #tpu.memory_space<hbm>>) target_semaphore(%arg8 : memref<!tpu.dma_semaphore, #tpu.memory_space<semaphore_mem>>)
    %dma_wait3A_108 = arith.constant 0 : i32
    %dma_wait3A_109 = arith.constant 0 : i32
    %dma_wait3A_110 = tpu.memref_slice %arg5[%dma_wait3A_108, %dma_wait3A_109] : memref<64x512xf32, #tpu.memory_space<vmem>> -> memref<32x512xf32, #tpu.memory_space<vmem>>
    %dma_wait3A_111 = arith.constant 0 : i32
    %dma_wait3A_112 = tpu.memref_slice %arg3[%mul3A_2, %dma_wait3A_111] : memref<2048x512xf32, #tpu.memory_space<hbm>> -> memref<32x512xf32, #tpu.memory_space<hbm>>
    %dma_wait3A_113 = arith.constant 0 : i32
    %dma_wait3A_114 = tpu.memref_slice %arg3[%mul3A_2, %dma_wait3A_113] : memref<2048x512xf32, #tpu.memory_space<hbm>> -> memref<32x512xf32, #tpu.memory_space<hbm>>
    %dma_wait3A_115 = arith.constant 0 : i32
    %dma_wait3A_116 = arith.constant 0 : i32
    %dma_wait3A_117 = tpu.memref_slice %arg5[%dma_wait3A_115, %dma_wait3A_116] : memref<64x512xf32, #tpu.memory_space<vmem>> -> memref<32x512xf32, #tpu.memory_space<vmem>>
    tpu.wait_dma2 semaphore(%arg8 : memref<!tpu.dma_semaphore, #tpu.memory_space<semaphore_mem>>) src(%dma_wait3A_117 : memref<32x512xf32, #tpu.memory_space<vmem>>) dst(%dma_wait3A_114 : memref<32x512xf32, #tpu.memory_space<hbm>>)
    %dma_wait3A_118 = arith.constant 32 : i32
    %dma_wait3A_119 = arith.constant 0 : i32
    %dma_wait3A_120 = tpu.memref_slice %arg5[%dma_wait3A_118, %dma_wait3A_119] : memref<64x512xf32, #tpu.memory_space<vmem>> -> memref<32x512xf32, #tpu.memory_space<vmem>>
    %dma_wait3A_121 = arith.constant 0 : i32
    %dma_wait3A_122 = tpu.memref_slice %arg3[%add3A_97, %dma_wait3A_121] : memref<2048x512xf32, #tpu.memory_space<hbm>> -> memref<32x512xf32, #tpu.memory_space<hbm>>
    %dma_wait3A_123 = arith.constant 0 : i32
    %dma_wait3A_124 = tpu.memref_slice %arg3[%add3A_97, %dma_wait3A_123] : memref<2048x512xf32, #tpu.memory_space<hbm>> -> memref<32x512xf32, #tpu.memory_space<hbm>>
    %dma_wait3A_125 = arith.constant 32 : i32
    %dma_wait3A_126 = arith.constant 0 : i32
    %dma_wait3A_127 = tpu.memref_slice %arg5[%dma_wait3A_125, %dma_wait3A_126] : memref<64x512xf32, #tpu.memory_space<vmem>> -> memref<32x512xf32, #tpu.memory_space<vmem>>
    tpu.wait_dma2 semaphore(%arg8 : memref<!tpu.dma_semaphore, #tpu.memory_space<semaphore_mem>>) src(%dma_wait3A_127 : memref<32x512xf32, #tpu.memory_space<vmem>>) dst(%dma_wait3A_124 : memref<32x512xf32, #tpu.memory_space<hbm>>)
    return
  }
}

</mosaic_0001>

<sc_bundles>
// kernel: kernel.3.cloned.1.call-start
scs
__scs_entry_jumppad:
0x0: {  	(pc) =	sbr.rel $0x88, $3  }
0x1: {  	(tag) =	ssettag $0x0;
	lr =	simm.s32 $0x1  }
0x2: {  	[smem:$0x3FA0] =	sst lr;
	_ =	strace $0xD0000000  }
0x3: {  	_ = 	snop  }
0x4: {  	_ = 	snop  }
0x5: {  	_ = 	snop  }
0x6: {  	_ = 	snop  }
0x7: {  	_ = 	snop  }
__scs_overlays_trampoline_lowered:
0x8: {  	[smem:$0x3FAF] =	sst s0  }
0x9: {  	[smem:$0x3FB0] =	sst s1  }
0xa: {  	[smem:$0x3FB1] =	sst s2  }
0xb: {  	[smem:$0x3FB2] =	sst s3  }
0xc: {  	[smem:$0x3FB3] =	sst s4  }
0xd: {  	[smem:$0x3FB4] =	sst s5  }
0xe: {  	[smem:$0x3FB5] =	sst s6  }
0xf: {  	[smem:$0x3FB6] =	sst s7  }
0x10: {  	[smem:$0x3FB7] =	sst s8  }
0x11: {  	[smem:$0x3FB8] =	sst s9;
	s0 =	simm.s32 @!p0 $0x0  }
0x12: {  	s1 =	sld [smem:$0x3F9E];
	s0 =	simm.s32 @p0 $0x1  }
0x13: {  	[smem:$0x3FB9] =	sst s0;
	s0 =	simm.s32 @!p1 $0x0  }
0x14: {  	s2 =	sld [smem:$0x3F9D];
	s0 =	simm.s32 @p1 $0x1  }
0x15: {  	[smem:$0x3FBA] =	sst s0;
	s0 =	simm.s32 @!p2 $0x0  }
0x16: {  	s3 =	sld [smem:$0x3FDB];
	s0 =	simm.s32 @p2 $0x1  }
0x17: {  	s4 =	simm.s32 $0x1BF5;
	[smem:$0x3FBC] =	sst s0  }
0x18: {  	s0 =	sld [smem:$0x3F9F];
	_ =	swait.ge [sflag:s4], $0x0  }
0x19: {  	s7 =	sld [smem:$0x3FA0]  }
0x1a: {  	s8 =	sadd.s32 $0xFFFFE003, lr  }
0x1b: {  	s9 =	sadd.s32 $0xFFFFFEF7, lr;
	s5 =	simm.s32 $0xFFFFFFFF;
	p2 =	slt.u32 s8, $0xFFFFF086  }
0x1c: {  	p1 =	slt.u32 s9, $0xF7A;
	s5 =	simm.s32 @!p2 $0x0  }
0x1d: {  	s5 =	simm.s32 @p1 $0x1;
	p0 =	seq.s32 s7, s2  }
0x1e: {  	s7 =	smul.u32 @!p0 $0xF7A, s2;
	p2 =	seq.s32 @!p0 s5, $0x0  }
0x1f: {  	s9 =	smul.u32 $0xF7A, s1;
	s8 =	simm.s32 @!p0 $0x1BF5;
	p2 =	por !p2, p0  }
0x20: {  	[sflag:s8] =	ssyncset.s32 @!p0 $0xFFFFF086;
	s6 =	sadd.s32 @!p0 s3, s7;
	s7 =	simm.s32 @!p0 $0x108  }
0x21: {  	s3 =	sadd.s32 s3, s9;
	s6 =	sadd.s32 @!p0 $0x88, s6;
	s7 =	simm.s32 @p2 $0x1082  }
0x22: {  	[simem:s7], [sflag:s8] =	dma.local @!p0 [hbm:s6], $0xF7A  }
0x23: {  	s9 =	sor.u32 $0xD0000000, s2;
	s6 =	simm.s32 $0x108;
	_ =	swait.ge @!p0 [sflag:s8], $0x0  }
0x24: {  	s3 =	sadd.s32 $0x88, s3;
	s6 =	simm.s32 @!p1 $0x1082;
	[sflag:s4] =	ssyncset.s32 $0xFFFFF086  }
0x25: {  	[simem:s6], [sflag:s4] =	dma.local [hbm:s3], $0xF7A  }
0x26: {  	[smem:$0x3FA0] =	sst s1;
	(tag) =	ssettag s2;
	_ =	strace s9  }
0x27: {  	s1 =	sld [smem:$0x3FB0]  }
0x28: {  	s2 =	sld [smem:$0x3FB1]  }
0x29: {  	s4 =	sld [smem:$0x3FB3]  }
0x2a: {  	p0 =	seq.s32 s5, $0x0;
	s5 =	sld [smem:$0x3FB4]  }
0x2b: {  	s6 =	sld [smem:$0x3FB5]  }
0x2c: {  	s7 =	sld [smem:$0x3FB6]  }
0x2d: {  	s3 =	simm.s32 $0x108;
	s8 =	sld [smem:$0x3FB7]  }
0x2e: {  	s3 =	simm.s32 @!p0 $0x1082;
	s9 =	sld [smem:$0x3FB8]  }
0x2f: {  	lr =	sadd.s32 s0, s3;
	s0 =	sld [smem:$0x3FAF]  }
0x30: {  	s3 =	sld [smem:$0x3FB2]  }
0x31: {  	[smem:$0x3FBB] =	sst s10  }
0x32: {  	s10 =	sld [smem:$0x3FB9];
	_ =	sdelay $0x3  }
0x33: {  	p0 =	seq.s32 s10, $0x1;
	s10 =	sld [smem:$0x3FBB];
	_ =	sdelay $0x3  }
0x34: {  	[smem:$0x3FBB] =	sst s10  }
0x35: {  	s10 =	sld [smem:$0x3FBA];
	_ =	sdelay $0x3  }
0x36: {  	p1 =	seq.s32 s10, $0x1;
	s10 =	sld [smem:$0x3FBB];
	_ =	sdelay $0x3  }
0x37: {  	[smem:$0x3FBB] =	sst s10  }
0x38: {  	s10 =	sld [smem:$0x3FBC]  }
0x39: {  	_ = 	snop;
	(pc) =	sbr.ind lr, $3  }
0x3a: {  	_ = 	snop  }
0x3b: {  	_ = 	snop  }
0x3c: {  	p2 =	seq.s32 s10, $0x1;
	s10 =	sld [smem:$0x3FBB]  }
0x3d: {  	_ =	shalt  }
0x3e: {  	_ =	shalt  }
0x3f: {  	_ =	shalt  }
0x40: {  	_ =	shalt  }
0x41: {  	_ =	shalt  }
0x42: {  	_ =	shalt  }
0x43: {  	_ =	shalt  }
0x44: {  	_ =	shalt  }
0x45: {  	_ =	shalt  }
0x46: {  	_ =	shalt  }
0x47: {  	_ =	shalt  }
0x48: {  	_ =	shalt  }
0x49: {  	_ =	shalt  }
0x4a: {  	_ =	shalt  }
0x4b: {  	_ =	shalt  }
0x4c: {  	_ =	shalt  }
0x4d: {  	_ =	shalt  }
0x4e: {  	_ =	shalt  }
0x4f: {  	_ =	shalt  }
0x50: {  	_ =	shalt  }
0x51: {  	_ =	shalt  }
0x52: {  	_ =	shalt  }
0x53: {  	_ =	shalt  }
0x54: {  	_ =	shalt  }
0x55: {  	_ =	shalt  }
0x56: {  	_ =	shalt  }
0x57: {  	_ =	shalt  }
0x58: {  	_ =	shalt  }
0x59: {  	_ =	shalt  }
0x5a: {  	_ =	shalt  }
0x5b: {  	_ =	shalt  }
0x5c: {  	_ =	shalt  }
0x5d: {  	_ =	shalt  }
0x5e: {  	_ =	shalt  }
0x5f: {  	_ =	shalt  }
0x60: {  	_ =	shalt  }
0x61: {  	_ =	shalt  }
0x62: {  	_ =	shalt  }
0x63: {  	_ =	shalt  }
0x64: {  	_ =	shalt  }
0x65: {  	_ =	shalt  }
0x66: {  	_ =	shalt  }
0x67: {  	_ =	shalt  }
0x68: {  	_ =	shalt  }
0x69: {  	_ =	shalt  }
0x6a: {  	_ =	shalt  }
0x6b: {  	_ =	shalt  }
0x6c: {  	_ =	shalt  }
0x6d: {  	_ =	shalt  }
0x6e: {  	_ =	shalt  }
0x6f: {  	_ =	shalt  }
0x70: {  	_ =	shalt  }
0x71: {  	_ =	shalt  }
0x72: {  	_ =	shalt  }
0x73: {  	_ =	shalt  }
0x74: {  	_ =	shalt  }
0x75: {  	_ =	shalt  }
0x76: {  	_ =	shalt  }
0x77: {  	_ =	shalt  }
0x78: {  	_ =	shalt  }
0x79: {  	_ =	shalt  }
0x7a: {  	_ =	shalt  }
0x7b: {  	_ =	shalt  }
0x7c: {  	_ =	shalt  }
0x7d: {  	_ =	shalt  }
0x7e: {  	_ =	shalt  }
0x7f: {  	_ =	shalt  }
0x80: {  	_ =	shalt  }
0x81: {  	_ =	shalt  }
0x82: {  	_ =	shalt  }
0x83: {  	_ =	shalt  }
0x84: {  	_ =	shalt  }
0x85: {  	_ =	shalt  }
0x86: {  	_ =	shalt  }
0x87: {  	_ =	shalt  }
.Lfunc_end0:
.L_simem_size_0:
called_computation_lowered:
.L_overlay_start_0:
0x88: {  	s2 =	sld [smem:$0x3FD9]  }
0x89: {  	s3 =	sld [smem:$0x3FFE];
	_ =	sdelay $0x1  }
0x8a: {  	s1 =	srdreg.scid  }
0x8b: {  	s0 =	sand.u32 $0x1, s1  }
0x8c: {  	s18 =	sshll.u32 s0, $0xA;
	s2 =	sadd.s32 s3, s2  }
0x8d: {  	s2 =	sadd.s32 s2, s18  }
0x8e: {  	[smem:$0x3FC7] =	sst s2  }
0x8f: {  	_ = 	snop  }
0x90: {  	s2 =	sld [smem:$0x3FC9]  }
0x91: {  	s19 =	sld [smem:$0x3FD0];
	(tm) =	ssettm $0x1  }
0x92: {  	s4 =	sld [smem:$0x3FFB];
	_ =	sdelay $0x3  }
0x93: {  	_ =	strace s4  }
0x94: {  	s4 =	sld [smem:$0x3FFC];
	_ =	sdelay $0x3  }
0x95: {  	_ =	strace s4  }
0x96: {  	s4 =	sld [smem:$0x3FFD];
	_ =	sdelay $0x3  }
0x97: {  	_ =	strace s4  }
0x98: {  	_ =	strace $0x8FFFFFFF  }
0x99: {  	s20 =	sld [smem:$0x3FDB];
	_ =	sdelay $0x1  }
0x9a: {  	s5 =	simm.s32 $_scs_section_size  }
0x9b: {  	s6 =	simm.s32 $_size__tile_overlayer_lowered;
	s7 =	simm.s32 $_tile_overlayer_lowered  }
0x9c: {  	s23 =	simm.s32 $0x1BFF;
	s22 =	sshll.u32 s7, $0x1;
	s4 =	sadd.s32 s5, s20  }
0x9d: {  	s8 =	simm.s32 $0x0;
	s21 =	sshll.u32 s6, $0x1;
	s6 =	sadd.s32 s22, s4  }
0x9e: {  	[timem:s8], [sflag:s23] =	dma.local [hbm:s6], s21  }
0x9f: {  	_ =	swait.ge [sflag:s23], s21  }
0xa0: {  	s5 =	ssub.s32 $0x0, s21;
	[sflag:s23] =	ssyncset.done $0x0  }
0xa1: {  	[sflag:s23] =	ssyncadd.s32 s5;
	_ =	sdelay $0x1  }
0xa2: {  	s24 =	simm.s32 $0x1B8B  }
0xa3: {  	_ =	swait.ge [sflag:s24], $0x1  }
0xa4: {  	[sflag:s24] =	ssyncset.done $0x0  }
0xa5: {  	s25 =	simm.s32 $0x1B8E;
	[sflag:s24] =	ssyncadd.s32 $0xFFFFFFFF  }
0xa6: {  	s26 =	simm.s32 $execute0_lowered;
	[smem:$0x3FD2] =	sst s25  }
0xa7: {  	s5 =	sshll.u32 s26, $0x1;
	_ =	strace $0x80000046;
	[dreg:$0x1] =	wrdreg $0xFFFFFFFF  }
0xa8: {  	s28 =	simm.s32 $_size_execute0_lowered;
	s4 =	sadd.s32 s4, s5;
	[dreg:$0x0] =	wrdreg $0x0  }
0xa9: {  	s5 =	sshll.u32 s28, $0x1;
	[dreg:$0x2] =	wrdreg s4  }
0xaa: {  	[dreg:$0x3] =	wrdreg s5  }
0xab: {  	[dreg:$0x4] =	wrdreg $0xC0  }
0xac: {  	_ =	task [dreg:s8], $0x5FFFF  }
0xad: {  	[dreg:$0x1] =	wrdreg $0xFFFFFFFF  }
0xae: {  	[dreg:$0x0] =	wrdreg $0x60  }
0xaf: {  	[dreg:$0x2] =	wrdreg s2  }
0xb0: {  	[dreg:$0x3] =	wrdreg s19  }
0xb1: {  	[dreg:$0x4] =	wrdreg $0x9  }
0xb2: {  	_ =	task.clear_ibuf [dreg:s8], $0x5FFFF;
	_ =	strace $0x90000046  }
0xb3: {  	s29 =	simm.s32 $0x9;
	_ =	strace $0x80000048  }
0xb4: {  	_ =	swait.ge [sflag:s29], $0x1  }
0xb5: {  	[sflag:s29] =	ssyncadd.s32 $0xFFFFFFFF  }
0xb6: {  	_ =	strace $0x90000048  }
0xb7: {  	_ =	sfence  }
0xb8: {  	s30 =	sld [smem:$0x0];
	_ =	sdelay $0x2  }
0xb9: {  	s31 =	sshll.u32 s1, $0xD;
	s1 =	sshrl.u32 s1, $0x2  }
0xba: {  	s3 =	sand.u32 $0x4000, s31;
	s1 =	sadd.s32 s1, s30  }
0xbb: {  	s0 =	sor.u32 s3, s0;
	s1 =	sshll.u32 s1, $0x11  }
0xbc: {  	s0 =	sor.u32 s1, s0  }
0xbd: {  	s0 =	sadd.s32 $0x8F2B, s0  }
0xbe: {  	[sflag:s0] =	ssyncadd.remote.s32 $0x1  }
0xbf: {  	_ =	sfence.sel $0xFFFF  }
0xc0: {  	[dreg:$0x0] =	wrdreg $0xFFFFFFFF;
	(pc) =	sbr.abs _section_cstart, $3  }
0xc1: {  	[dreg:$0x1] =	wrdreg $0xFFFFFFFF  }
0xc2: {  	_ =	task.clear_ibuf [dreg:s8], $0x2FFFF;
	_ =	strace $0x9FFFFFFF  }
0xc3: {  	(tm) =	ssettm $0x7FFFFFFF  }
tec
execute0_lowered:
.L_overlay_start_1:
0x0: {  	(tag) =	ssettag $0x1  }
0x1: {  	s1 =	srdreg.scid  }
0x2: {  	s0 =	stileid.u32;
	s4 =	sand.u32 $0x1, s1  }
0x3: {  	s30 =	sshll.u32 s0, $0x7;
	s2 =	sshll.u32 s4, $0x6  }
0x4: {  	v3 =	vlaneseq.u32;
	s5 =	sor.u32 s2, s30  }
0x5: {  	v0 =	vor.u32 s5, v3;
	s1 =	sor.u32 $0x10, s5  }
0x6: {  	s7 =	sor.u32 $0x20, s5;
	v0 =	vcvt.s32.f32 v0;
	v1 =	vor.u32 s1, v3  }
0x7: {  	s6 =	rddreg [dreg:$0x1];
	s8 =	sor.u32 $0x30, s5;
	v2 =	vor.u32 s7, v3;
	v1 =	vcvt.s32.f32 v1  }
0x8: {  	s3 =	simm.s32 $0x0;
	s10 =	simm.s32 $0x1080;
	s11 =	simm.s32 $0x1880;
	v4 =	vor.u32 s8, v3;
	v2 =	vcvt.s32.f32 v2;
	v0 =	vmul.f32 $8.003419870e+00, v0  }
0x9: {  	s12 =	simm.s32 $0x2080;
	s13 =	simm.s32 $0x2880;
	s14 =	simm.s32 $0x3080;
	v4 =	vcvt.s32.f32 v4;
	v1 =	vmul.f32 $8.003419870e+00, v1  }
0xa: {  	s15 =	simm.s32 $0x3880;
	s16 =	simm.s32 $0x4080;
	s17 =	simm.s32 $0x4880;
	v2 =	vmul.f32 $8.003419870e+00, v2;
	v0 =	vtrunc.f32 v0  }
0xb: {  	s18 =	simm.s32 $0x5080;
	s19 =	simm.s32 $0x5880;
	s20 =	simm.s32 $0x6080;
	v4 =	vmul.f32 $8.003419870e+00, v4;
	v0 =	vcvt.f32.s32 v0  }
0xc: {  	s21 =	simm.s32 $0x6880;
	s22 =	simm.s32 $0x7080;
	s23 =	simm.s32 $0x7880;
	v1 =	vtrunc.f32 v1  }
0xd: {  	s24 =	simm.s32 $0x1;
	s25 =	simm.s32 $0x2;
	s4 =	ssub.s32 $0x2, s4;
	v7 =	vtrunc.f32 v2;
	v8 =	vtrunc.f32 v4;
	v5 =	vshll.u32 v0, $0x2  }
0xe: {  	s26 =	simm.s32 $0x3;
	[smem:$0x7FF] =	sst s3;
	s9 =	sshrl.u32 s4, $0x1;
	v2 =	vand.u32 $0x7, v3;
	v6 =	vand.u32 $0x7, v0;
	v5 =	vand.u32 $0xFFFFFFE0, v5  }
0xf: {  	s2 =	rddreg [dreg:$0x0];
	s31 =	ssub.s32 s4, s9;
	s5 =	sshll.u32 s5, $0x6;
	v4 =	vshrl.u32 v3, $0x3;
	v3 =	vor.u32 $0x8, v3;
	v5 =	vor.u32 v6, v5  }
0x10: {  	s4 =	sadd.s32 $0x100, s2;
	s9 =	simm.s32 $0x880;
	s1 =	rddreg [dreg:$0x2];
	v4 =	vmul.u32 $0x8, v4;
	v9 =	vperm.xlane v5, v2;
	v10 =	vperm.xlane v5, v3  }
0x11: {  	vm0 =	vmmov $0xffff;
	_ =	strace $0x80000047;
	s5 =	sadd.s32 s6, s5;
	s7 =	sshll.u32 s7, $0x6;
	v1 =	vcvt.f32.s32 v1;
	v6 =	vcvt.f32.s32 v8  }
0x12: {  	s8 =	simm.s32 $0x80;
	s6 =	sadd.s32 s6, s7;
	s7 =	smax.u32 s31, $0x1;
	v5 =	vcvt.f32.s32 v7;
	v7 =	vadd.s32 v4, v9;
	v8 =	vadd.s32 v4, v10  }
.LBB2_1:
0x13: {  	[tilespmem:$0x0] =	vst v0  }
0x14: {  	[tilespmem:$0x10] =	vst v1  }
0x15: {  	[tilespmem:$0x20] =	vst v5  }
0x16: {  	[tilespmem:$0x30] =	vst v6  }
0x17: {  	[tilespmem:s8], [sflag:$0x1] =	stream.indirect_vreg.gather [hbm4b:s2+s3], $0x80, v7, vm0, $0xb8;
	[tilespmem:$0x8080] =	vst v63  }
0x18: {  	_ = 	snop  }
0x19: {  	[tilespmem:s9], [sflag:$0x1] =	stream.indirect_vreg.gather [hbm4b:s4+s3], $0x80, v7, vm0, $0xb8;
	[tilespmem:$0x8080] =	vst v63  }
0x1a: {  	_ = 	snop  }
0x1b: {  	[tilespmem:s10], [sflag:$0x1] =	stream.indirect_vreg.gather [hbm4b:s2+s3], $0x80, v8, vm0, $0xb8;
	[tilespmem:$0x8080] =	vst v63  }
0x1c: {  	_ = 	snop  }
0x1d: {  	[tilespmem:s11], [sflag:$0x1] =	stream.indirect_vreg.gather [hbm4b:s4+s3], $0x80, v8, vm0, $0xb8;
	[tilespmem:$0x8080] =	vst v63  }
0x1e: {  	v9 =	vld [tilespmem:$0x10];
	_ =	sdelay $0x4  }
0x1f: {  	v10 =	vshll.u32 v9, $0x2  }
0x20: {  	v9 =	vand.u32 $0x7, v9;
	v10 =	vand.u32 $0xFFFFFFE0, v10  }
0x21: {  	v9 =	vor.u32 v9, v10  }
0x22: {  	v10 =	vperm.xlane v9, v2;
	_ =	sdelay $0x1  }
0x23: {  	v10 =	vadd.s32 v4, v10;
	_ =	sdelay $0x1  }
0x24: {  	v9 =	vperm.xlane v9, v3;
	_ =	sdelay $0x1  }
0x25: {  	v9 =	vadd.s32 v4, v9  }
0x26: {  	[tilespmem:s12], [sflag:$0x1] =	stream.indirect_vreg.gather [hbm4b:s2+s3], $0x80, v10, vm0, $0xb8;
	[tilespmem:$0x8080] =	vst v63  }
0x27: {  	_ = 	snop  }
0x28: {  	[tilespmem:s13], [sflag:$0x1] =	stream.indirect_vreg.gather [hbm4b:s4+s3], $0x80, v10, vm0, $0xb8;
	[tilespmem:$0x8080] =	vst v63  }
0x29: {  	_ = 	snop  }
0x2a: {  	[tilespmem:s14], [sflag:$0x1] =	stream.indirect_vreg.gather [hbm4b:s2+s3], $0x80, v9, vm0, $0xb8;
	[tilespmem:$0x8080] =	vst v63  }
0x2b: {  	_ = 	snop  }
0x2c: {  	[tilespmem:s15], [sflag:$0x1] =	stream.indirect_vreg.gather [hbm4b:s4+s3], $0x80, v9, vm0, $0xb8;
	[tilespmem:$0x8080] =	vst v63  }
0x2d: {  	v9 =	vld [tilespmem:$0x20];
	_ =	sdelay $0x4  }
0x2e: {  	v10 =	vshll.u32 v9, $0x2  }
0x2f: {  	v9 =	vand.u32 $0x7, v9;
	v10 =	vand.u32 $0xFFFFFFE0, v10  }
0x30: {  	v9 =	vor.u32 v9, v10  }
0x31: {  	v10 =	vperm.xlane v9, v2;
	_ =	sdelay $0x1  }
0x32: {  	v10 =	vadd.s32 v4, v10;
	_ =	sdelay $0x1  }
0x33: {  	v9 =	vperm.xlane v9, v3;
	_ =	sdelay $0x1  }
0x34: {  	v9 =	vadd.s32 v4, v9  }
0x35: {  	[tilespmem:s16], [sflag:$0x2] =	stream.indirect_vreg.gather [hbm4b:s2+s3], $0x80, v10, vm0, $0xb8;
	[tilespmem:$0x8080] =	vst v63  }
0x36: {  	_ = 	snop  }
0x37: {  	[tilespmem:s17], [sflag:$0x2] =	stream.indirect_vreg.gather [hbm4b:s4+s3], $0x80, v10, vm0, $0xb8;
	[tilespmem:$0x8080] =	vst v63  }
0x38: {  	_ = 	snop  }
0x39: {  	[tilespmem:s18], [sflag:$0x2] =	stream.indirect_vreg.gather [hbm4b:s2+s3], $0x80, v9, vm0, $0xb8;
	[tilespmem:$0x8080] =	vst v63  }
0x3a: {  	_ = 	snop  }
0x3b: {  	[tilespmem:s19], [sflag:$0x2] =	stream.indirect_vreg.gather [hbm4b:s4+s3], $0x80, v9, vm0, $0xb8;
	[tilespmem:$0x8080] =	vst v63  }
0x3c: {  	v9 =	vld [tilespmem:$0x30];
	_ =	sdelay $0x4  }
0x3d: {  	v10 =	vshll.u32 v9, $0x2  }
0x3e: {  	v9 =	vand.u32 $0x7, v9;
	v10 =	vand.u32 $0xFFFFFFE0, v10  }
0x3f: {  	v9 =	vor.u32 v9, v10  }
0x40: {  	v10 =	vperm.xlane v9, v2;
	_ =	sdelay $0x1  }
0x41: {  	v10 =	vadd.s32 v4, v10;
	_ =	sdelay $0x1  }
0x42: {  	v9 =	vperm.xlane v9, v3;
	_ =	sdelay $0x1  }
0x43: {  	v9 =	vadd.s32 v4, v9  }
0x44: {  	[tilespmem:s20], [sflag:$0x2] =	stream.indirect_vreg.gather [hbm4b:s2+s3], $0x80, v10, vm0, $0xb8;
	[tilespmem:$0x8080] =	vst v63  }
0x45: {  	_ = 	snop  }
0x46: {  	[tilespmem:s21], [sflag:$0x2] =	stream.indirect_vreg.gather [hbm4b:s4+s3], $0x80, v10, vm0, $0xb8;
	[tilespmem:$0x8080] =	vst v63  }
0x47: {  	_ = 	snop  }
0x48: {  	[tilespmem:s22], [sflag:$0x2] =	stream.indirect_vreg.gather [hbm4b:s2+s3], $0x80, v9, vm0, $0xb8;
	[tilespmem:$0x8080] =	vst v63  }
0x49: {  	_ = 	snop  }
0x4a: {  	[tilespmem:s23], [sflag:$0x2] =	stream.indirect_vreg.gather [hbm4b:s4+s3], $0x80, v9, vm0, $0xb8;
	[tilespmem:$0x8080] =	vst v63  }
0x4b: {  	_ =	swait.ge [sflag:s24], $0x4000  }
0x4c: {  	[sflag:s24] =	ssyncset.done $0x0  }
0x4d: {  	[sflag:s24] =	ssyncadd.s32 $0xFFFFC000  }
0x4e: {  	[hbm4b:s5+s3] =	stream.linear.scatter [tilespmem:s8], [sflag:$0x3], $0x4000, $0x38;
	[tilespmem:$0x8080] =	vst v63  }
0x4f: {  	_ =	swait.ge [sflag:s25], $0x4000  }
0x50: {  	[sflag:s25] =	ssyncset.done $0x0  }
0x51: {  	[sflag:s25] =	ssyncadd.s32 $0xFFFFC000  }
0x52: {  	[hbm4b:s6+s3] =	stream.linear.scatter [tilespmem:s16], [sflag:$0x3], $0x4000, $0x38;
	[tilespmem:$0x8080] =	vst v63  }
0x53: {  	p0 =	sne.s32 s7, $0x1;
	_ =	swait.ge [sflag:s26], $0x4000  }
.Ltmp0:
0x54: {  	[sflag:s26] =	ssyncset.done $0x0;
	(pc) =	sbr.rel @p0 .LBB2_1-.Ltmp0, $4  }
0x55: {  	[sflag:s26] =	ssyncadd.s32 $0xFFFFC000  }
0x56: {  	_ =	swait.ge [sflag:s26], $0x4000  }
0x57: {  	[sflag:s26] =	ssyncset.done $0x0  }
0x58: {  	s7 =	sadd.s32 $0xFFFFFFFF, s7;
	[sflag:s26] =	ssyncadd.s32 $0xFFFFC000  }
0x59: {  	_ =	sfence.sel $0x180000  }
0x5a: {  	[bflag:$0x0] =	sbarrier.arrive $0xFFFF  }
0x5b: {  	p0 =	sne.s32 s0, $0x0;
	_ =	strace $0x90000047  }
0x5c: {  	s0 =	sadd.s32 @!p0 $0x100000, s1;
	[bflag:$0x2] =	sbarrier.arrive $0xFFFF  }
0x5d: {  	[sflag:s0] =	ssyncadd.tile.s32 @!p0 $0x1;
	_ =	shalt  }
.Lfunc_end2:
_tile_overlayer_lowered:
.L_overlay_start_2:
0x5e: {  	(tag) =	ssettag $0x2  }
0x5f: {  	s0 =	rddreg [dreg:$0x0];
	s2 =	stileid.u32  }
0x60: {  	s1 =	rddreg [dreg:$0x1];
	p0 =	sne.s32 s2, $0x0  }
0x61: {  	s3 =	rddreg [dreg:$0x2];
	[bflag:$0x3] =	sbarrier.arrive $0xFFFF;
	s2 =	simm.s32 @!p0 $0x1C04  }
0x62: {  	[timem:s3], [sflag:s2] =	dma.local @!p0 [hbm:s0], s1  }
0x63: {  	s0 =	simm.s32 @!p0 $0x4  }
0x64: {  	_ =	swait.ge @!p0 [sflag:s0], s1  }
0x65: {  	s1 =	ssub.s32 @!p0 $0x0, s1;
	[sflag:s0] =	ssyncset.done @!p0 $0x0  }
0x66: {  	[sflag:s0] =	ssyncadd.s32 @!p0 s1  }
0x67: {  	[bflag:$0x3] =	sbarrier.arrive $0xFFFF  }
0x68: {  	_ =	shalt  }

</sc_bundles>
